<compile_context>
chip_gen: v7x
topology: tpu7x:2x2x1
jax: 0.10.2.dev20260603
libtpu: 0.0.44.dev20260713+nightly
codegen_flags: <defaults>
</compile_context>

<pallas_src>
import functools

import jax
import jax.numpy as jnp
from jax import lax
from jax.experimental import pallas as pl
from jax.experimental.pallas import tpu as pltpu
from jax.experimental.pallas import tpu_sc as plsc

_NC = 2
_NS = 16
_CHUNK = 80


@functools.partial(jax.jit, static_argnames=())
def _sc_aggregate(m, src, dst, zrows):
    N, H = m.shape
    E = src.shape[0]
    n_workers = _NC * _NS
    ew = E // n_workers
    n_chunks = ew // _CHUNK
    rpt = (N // _NS) // 8 * 8
    tail = N - _NS * rpt

    mesh = plsc.VectorSubcoreMesh(core_axis_name="c", subcore_axis_name="s")

    @functools.partial(
        pl.kernel,
        mesh=mesh,
        out_type=jax.ShapeDtypeStruct((2 * N, H), jnp.float32),
        scratch_types=[
            pltpu.VMEM((_CHUNK,), jnp.int32),
            pltpu.VMEM((_CHUNK,), jnp.int32),
            pltpu.VMEM((_CHUNK, H), jnp.float32),
            pltpu.VMEM_SHARED((N, H), jnp.float32),
            pltpu.SemaphoreType.DMA,
        ],
    )
    def sc_fn(m_hbm, src_hbm, dst_hbm, z_hbm, out_hbm, src_v, dst_v, rows_v,
              agg_sh, sem):
        cid = lax.axis_index("c")
        sid = lax.axis_index("s")
        wid = sid * _NC + cid
        pltpu.sync_copy(z_hbm, agg_sh.at[pl.ds(sid * rpt, rpt)])
        if tail:
            @pl.when(sid == 0)
            def _():
                pltpu.sync_copy(z_hbm.at[pl.ds(0, tail)],
                                agg_sh.at[pl.ds(_NS * rpt, tail)])
        plsc.subcore_barrier()

        def body(i, carry):
            base = wid * ew + i * _CHUNK
            pltpu.sync_copy(src_hbm.at[pl.ds(base, _CHUNK)], src_v)
            pltpu.sync_copy(dst_hbm.at[pl.ds(base, _CHUNK)], dst_v)
            pltpu.async_copy(m_hbm.at[src_v], rows_v, sem).wait()
            pltpu.sync_copy(rows_v, agg_sh.at[dst_v], add=True)
            return carry

        lax.fori_loop(0, n_chunks, body, 0)
        plsc.subcore_barrier()
        pltpu.sync_copy(agg_sh.at[pl.ds(sid * rpt, rpt)],
                        out_hbm.at[pl.ds(cid * N + sid * rpt, rpt)])
        if tail:
            @pl.when(sid == 0)
            def _():
                pltpu.sync_copy(agg_sh.at[pl.ds(_NS * rpt, tail)],
                                out_hbm.at[pl.ds(cid * N + _NS * rpt, tail)])

    return sc_fn(m, src, dst, zrows)


def _proj_body(x_ref, wT_ref, b_ref, w0_ref, h_ref, m_ref):
    h = jnp.dot(x_ref[...], wT_ref[...], preferred_element_type=jnp.float32)
    h = jnp.maximum(h + b_ref[...], 0.0)
    h_ref[...] = h
    m_ref[...] = jnp.dot(h, w0_ref[...], preferred_element_type=jnp.float32)


def _gru_body(p0_ref, p1_ref, hh_ref, wihT_ref, whhT_ref, bih_ref, bhh_ref,
              wn_ref, lng_ref, lnb_ref, hin_ref, hh_out_ref, m_out_ref,
              *, H, do_ln, do_res, has_next):
    agg = p0_ref[...] + p1_ref[...]
    hh = hh_ref[...]
    gi = jnp.dot(agg, wihT_ref[...], preferred_element_type=jnp.float32)
    gi = gi + bih_ref[...]
    gh = jnp.dot(hh, whhT_ref[...], preferred_element_type=jnp.float32)
    gh = gh + bhh_ref[...]
    r = jax.nn.sigmoid(gi[:, :H] + gh[:, :H])
    z = jax.nn.sigmoid(gi[:, H:2 * H] + gh[:, H:2 * H])
    n = jnp.tanh(gi[:, 2 * H:] + r * gh[:, 2 * H:])
    out = (1.0 - z) * n + z * hh
    if do_ln:
        mu = jnp.mean(out, axis=-1, keepdims=True)
        var = jnp.mean((out - mu) ** 2, axis=-1, keepdims=True)
        out = (out - mu) / jnp.sqrt(var + 1e-5) * lng_ref[...] + lnb_ref[...]
        if do_res:
            out = out + hin_ref[...]
        out = jnp.maximum(out, 0.0)
    hh_out_ref[...] = out
    if has_next:
        m_out_ref[...] = jnp.dot(out, wn_ref[...],
                                 preferred_element_type=jnp.float32)


_ROWBLK = 2000


def _row_spec(R, H):
    return pl.BlockSpec((R, H), lambda i: (i, 0))


def _full_spec(shape):
    return pl.BlockSpec(shape, lambda i: tuple(0 for _ in shape))


def _tc_proj(x, in_wT, in_b2, w0):
    N, D = x.shape
    H = in_wT.shape[1]
    R = _ROWBLK
    return pl.pallas_call(
        _proj_body,
        grid=(N // R,),
        in_specs=[_row_spec(R, D), _full_spec((D, H)), _full_spec((1, H)),
                  _full_spec((H, H))],
        out_specs=(_row_spec(R, H), _row_spec(R, H)),
        out_shape=(jax.ShapeDtypeStruct((N, H), jnp.float32),
                   jax.ShapeDtypeStruct((N, H), jnp.float32)),
    )(x, in_wT, in_b2, w0)


def _tc_gru(p0, p1, hh, wihT, whhT, bih2, bhh2, wn, lng2, lnb2, hin,
            do_ln, do_res, has_next):
    N, H = hh.shape
    R = _ROWBLK
    body = functools.partial(_gru_body, H=H, do_ln=do_ln, do_res=do_res,
                             has_next=has_next)
    out_shape = (jax.ShapeDtypeStruct((N, H), jnp.float32),
                 jax.ShapeDtypeStruct((N, H), jnp.float32))
    in_specs = [_row_spec(R, H), _row_spec(R, H), _row_spec(R, H),
                _full_spec((H, 3 * H)), _full_spec((H, 3 * H)),
                _full_spec((1, 3 * H)), _full_spec((1, 3 * H)),
                _full_spec((H, H)), _full_spec((1, H)), _full_spec((1, H)),
                _row_spec(R, H)]
    return pl.pallas_call(
        body, grid=(N // R,), in_specs=in_specs,
        out_specs=(_row_spec(R, H), _row_spec(R, H)),
        out_shape=out_shape)(
        p0, p1, hh, wihT, whhT, bih2, bhh2, wn, lng2, lnb2, hin)


def kernel(x, edge_index, in_w, in_b, ggnn_w, wih, whh, bih, bhh, ln_g, ln_b):
    N, D = x.shape
    H = in_w.shape[0]
    L, S = ggnn_w.shape[0], ggnn_w.shape[1]
    perm = jnp.argsort(edge_index[1], stable=True)
    src = edge_index[0][perm]
    dst = edge_index[1][perm]
    zrows = jnp.zeros(((N // _NS) // 8 * 8, H), jnp.float32)
    wihT = jnp.transpose(wih, (0, 2, 1))
    whhT = jnp.transpose(whh, (0, 2, 1))
    bih2 = bih.reshape(L, 1, 3 * H)
    bhh2 = bhh.reshape(L, 1, 3 * H)
    lng2 = ln_g.reshape(L, 1, H)
    lnb2 = ln_b.reshape(L, 1, H)

    h, m = _tc_proj(x, in_w.T, in_b.reshape(1, H), ggnn_w[0, 0])
    for l in range(L):
        h_in = h
        hh = h
        for s in range(S):
            parts = _sc_aggregate(m, src, dst, zrows)
            p0 = parts[:N]
            p1 = parts[N:]
            last = s == S - 1
            if not last:
                hh, m = _tc_gru(p0, p1, hh, wihT[l], whhT[l], bih2[l],
                                bhh2[l], ggnn_w[l, s + 1], lng2[l], lnb2[l],
                                h_in, False, False, True)
            else:
                wn = ggnn_w[l + 1, 0] if l < L - 1 else ggnn_w[l, 0]
                h, m = _tc_gru(p0, p1, hh, wihT[l], whhT[l], bih2[l],
                               bhh2[l], wn, lng2[l], lnb2[l], h_in,
                               True, l > 0, l < L - 1)
    return h

# --- scband reference (transcript-rebuilt; emitter-appended) ---
"""Pipeline reference for scband-graph-encoder-34265249088401 (READ-ONLY COPY).

The authoritative reference and input builder live on the scoring server;
editing this copy changes nothing except your own understanding.
"""

import jax, jax.numpy as jnp
import numpy as np

N = 10000
E = 320000
D = 128
H = 128
L = 3  # num GGNN layers
S = 5  # num recurrent steps per GGNN layer


def setup_inputs(seed: int = 0) -> dict:
    key = jax.random.key(seed)
    ks = jax.random.split(key, 12)
    x = jax.random.normal(ks[0], (N, D), dtype=jnp.float32)
    edge_index = jax.random.randint(ks[1], (2, E), 0, N, dtype=jnp.int32)
    # input projection
    in_w = jax.random.normal(ks[2], (H, D), dtype=jnp.float32) * 0.05
    in_b = jnp.zeros((H,), dtype=jnp.float32)
    # GGNN per-layer weights: weight[l, s] is [H, H], applied as x @ weight
    ggnn_w = jax.random.normal(ks[3], (L, S, H, H), dtype=jnp.float32) * 0.05
    # GRUCell params per layer
    wih = jax.random.normal(ks[4], (L, 3 * H, H), dtype=jnp.float32) * 0.05
    whh = jax.random.normal(ks[5], (L, 3 * H, H), dtype=jnp.float32) * 0.05
    bih = jnp.zeros((L, 3 * H), dtype=jnp.float32)
    bhh = jnp.zeros((L, 3 * H), dtype=jnp.float32)
    # LayerNorm params per layer
    ln_g = jnp.ones((L, H), dtype=jnp.float32)
    ln_b = jnp.zeros((L, H), dtype=jnp.float32)
    return {"x": x, "edge_index": edge_index, "in_w": in_w, "in_b": in_b,
            "ggnn_w": ggnn_w, "wih": wih, "whh": whh, "bih": bih, "bhh": bhh,
            "ln_g": ln_g, "ln_b": ln_b}


def _gru_cell(m, h, Wih, Whh, Bih, Bhh):
    gi = m @ Wih.T + Bih
    gh = h @ Whh.T + Bhh
    i_r, i_z, i_n = jnp.split(gi, 3, axis=-1)
    h_r, h_z, h_n = jnp.split(gh, 3, axis=-1)
    r = jax.nn.sigmoid(i_r + h_r)
    z = jax.nn.sigmoid(i_z + h_z)
    n = jnp.tanh(i_n + r * h_n)
    return (1.0 - z) * n + z * h


def _layer_norm(h, g, b, eps=1e-5):
    mu = jnp.mean(h, axis=-1, keepdims=True)
    var = jnp.mean((h - mu) ** 2, axis=-1, keepdims=True)
    return (h - mu) / jnp.sqrt(var + eps) * g + b


def reference(x, edge_index, in_w, in_b, ggnn_w, wih, whh, bih, bhh, ln_g, ln_b):
    src = edge_index[0]
    dst = edge_index[1]
    # input projection + relu (dropout is identity in eval)
    h = jax.nn.relu(x @ in_w.T + in_b)
    for l in range(L):
        h_in = h
        hh = h
        for s in range(S):
            m = hh @ ggnn_w[l, s]
            # message passing: gather from src, scatter-add into dst
            agg = jnp.zeros_like(hh).at[dst].add(m[src])
            hh = _gru_cell(agg, hh, wih[l], whh[l], bih[l], bhh[l])
        h = _layer_norm(hh, ln_g[l], ln_b[l])
        if l > 0:
            h = h + h_in
        h = jax.nn.relu(h)
    return h

if __name__ == "__main__":
    import jax
    _d = setup_inputs()
    print(jax.jit(kernel)(*tuple(_d.values())))

</pallas_src>

<mosaic_0001>
#map = affine_map<(d0, d1) -> (0, 0)>
#map1 = affine_map<(d0, d1) -> (0)>
module attributes {stable_mosaic.version = 14 : i64} {
  func.func @sc_fn(%arg0: i32, %arg1: i32, %arg2: memref<10000x128xf32, #tpu.memory_space<hbm>>, %arg3: memref<320000xi32, #tpu.memory_space<hbm>>, %arg4: memref<320000xi32, #tpu.memory_space<hbm>>, %arg5: memref<624x128xf32, #tpu.memory_space<hbm>>, %arg6: memref<20000x128xf32, #tpu.memory_space<hbm>>, %arg7: memref<80xi32, #tpu.memory_space<vmem>>, %arg8: memref<80xi32, #tpu.memory_space<vmem>>, %arg9: memref<80x128xf32, #tpu.memory_space<vmem>>, %arg10: memref<10000x128xf32, #tpu.memory_space<vmem_shared>>, %arg11: memref<!tpu.dma_semaphore, #tpu.memory_space<semaphore_mem>>) attributes {dimension_semantics = [#tpu.dimension_semantics<core_parallel>, #tpu.dimension_semantics<subcore_parallel>], iteration_bounds = array<i64: 2, 16>, scalar_prefetch = 0 : i64, scratch_operands = 5 : i64, tpu.core_type = #tpu.core_type<sc_vector_subcore>, window_params = [{transform_indices = #map}, {transform_indices = #map1}, {transform_indices = #map1}, {transform_indices = #map}, {transform_indices = #map}]} {
    %mul3A = arith.constant 2 : i32
    %mul3A_0 = arith.muli %arg1, %mul3A : i32
    %add3A = arith.addi %mul3A_0, %arg0 : i32
    %mul3A_1 = arith.constant 624 : i32
    %mul3A_2 = arith.muli %arg1, %mul3A_1 : i32
    "tpu.region"() ({
      %run_scoped3A = tpu.sem_alloc : memref<!tpu.dma_semaphore, #tpu.memory_space<semaphore_mem>>
      %dma_start3A = arith.constant 0 : i32
      %dma_start3A_23 = tpu.memref_slice %arg10[%mul3A_2, %dma_start3A] : memref<10000x128xf32, #tpu.memory_space<vmem_shared>> -> memref<624x128xf32, #tpu.memory_space<vmem_shared>>
      tpu.enqueue_dma source(%arg5 : memref<624x128xf32, #tpu.memory_space<hbm>>) target(%dma_start3A_23 : memref<624x128xf32, #tpu.memory_space<vmem_shared>>) target_semaphore(%run_scoped3A : memref<!tpu.dma_semaphore, #tpu.memory_space<semaphore_mem>>)
      %dma_wait3A = arith.constant 0 : i32
      %dma_wait3A_24 = tpu.memref_slice %arg10[%mul3A_2, %dma_wait3A] : memref<10000x128xf32, #tpu.memory_space<vmem_shared>> -> memref<624x128xf32, #tpu.memory_space<vmem_shared>>
      tpu.wait_dma2 semaphore(%run_scoped3A : memref<!tpu.dma_semaphore, #tpu.memory_space<semaphore_mem>>) src(%arg5 : memref<624x128xf32, #tpu.memory_space<hbm>>) dst(%dma_wait3A_24 : memref<624x128xf32, #tpu.memory_space<vmem_shared>>)
      tpu.yield
    }) : () -> ()
    %eq3A = arith.constant 0 : i32
    %eq3A_3 = arith.cmpi eq, %arg1, %eq3A : i32
    %convert_element_type3A = arith.extui %eq3A_3 : i1 to i32
    %cond3A = arith.constant 0 : i32
    %cond3A_4 = arith.cmpi ne, %convert_element_type3A, %cond3A : i32
    scf.if %cond3A_4 {
      "tpu.region"() ({
        %run_scoped3A = tpu.sem_alloc : memref<!tpu.dma_semaphore, #tpu.memory_space<semaphore_mem>>
        %dma_start3A = arith.constant 9984 : i32
        %dma_start3A_23 = arith.constant 0 : i32
        %dma_start3A_24 = tpu.memref_slice %arg10[%dma_start3A, %dma_start3A_23] : memref<10000x128xf32, #tpu.memory_space<vmem_shared>> -> memref<16x128xf32, #tpu.memory_space<vmem_shared>>
        %dma_start3A_25 = arith.constant 0 : i32
        %dma_start3A_26 = arith.constant 0 : i32
        %dma_start3A_27 = tpu.memref_slice %arg5[%dma_start3A_25, %dma_start3A_26] : memref<624x128xf32, #tpu.memory_space<hbm>> -> memref<16x128xf32, #tpu.memory_space<hbm>>
        tpu.enqueue_dma source(%dma_start3A_27 : memref<16x128xf32, #tpu.memory_space<hbm>>) target(%dma_start3A_24 : memref<16x128xf32, #tpu.memory_space<vmem_shared>>) target_semaphore(%run_scoped3A : memref<!tpu.dma_semaphore, #tpu.memory_space<semaphore_mem>>)
        %dma_wait3A = arith.constant 9984 : i32
        %dma_wait3A_28 = arith.constant 0 : i32
        %dma_wait3A_29 = tpu.memref_slice %arg10[%dma_wait3A, %dma_wait3A_28] : memref<10000x128xf32, #tpu.memory_space<vmem_shared>> -> memref<16x128xf32, #tpu.memory_space<vmem_shared>>
        %dma_wait3A_30 = arith.constant 0 : i32
        %dma_wait3A_31 = arith.constant 0 : i32
        %dma_wait3A_32 = tpu.memref_slice %arg5[%dma_wait3A_30, %dma_wait3A_31] : memref<624x128xf32, #tpu.memory_space<hbm>> -> memref<16x128xf32, #tpu.memory_space<hbm>>
        tpu.wait_dma2 semaphore(%run_scoped3A : memref<!tpu.dma_semaphore, #tpu.memory_space<semaphore_mem>>) src(%dma_wait3A_32 : memref<16x128xf32, #tpu.memory_space<hbm>>) dst(%dma_wait3A_29 : memref<16x128xf32, #tpu.memory_space<vmem_shared>>)
        tpu.yield
      }) : () -> ()
    } else {
    }
    %barrier3A = arith.constant 0 : index
    tpu.barrier barrier_id(%barrier3A)
    %scan3A = arith.constant 0 : i32
    %scan3A_5 = arith.constant 0 : i32
    %scan3A_6 = arith.constant 125 : i32
    %scan3A_7 = arith.addi %scan3A_5, %scan3A_6 : i32
    %scan3A_8 = arith.constant 1 : i32
    scf.for %scan3A_23 = %scan3A_5 to %scan3A_7 step %scan3A_8  : i32 {
      %mul3A_24 = arith.constant 10000 : i32
      %mul3A_25 = arith.muli %add3A, %mul3A_24 : i32
      %mul3A_26 = arith.constant 80 : i32
      %mul3A_27 = arith.muli %scan3A_23, %mul3A_26 : i32
      %add3A_28 = arith.addi %mul3A_25, %mul3A_27 : i32
      "tpu.region"() ({
        %run_scoped3A = tpu.sem_alloc : memref<!tpu.dma_semaphore, #tpu.memory_space<semaphore_mem>>
        %dma_start3A_33 = tpu.memref_slice %arg3[%add3A_28] : memref<320000xi32, #tpu.memory_space<hbm>> -> memref<80xi32, #tpu.memory_space<hbm>>
        %dma_start3A_34 = tpu.memref_slice %arg3[%add3A_28] : memref<320000xi32, #tpu.memory_space<hbm>> -> memref<80xi32, #tpu.memory_space<hbm>>
        tpu.enqueue_dma source(%dma_start3A_34 : memref<80xi32, #tpu.memory_space<hbm>>) target(%arg7 : memref<80xi32, #tpu.memory_space<vmem>>) target_semaphore(%run_scoped3A : memref<!tpu.dma_semaphore, #tpu.memory_space<semaphore_mem>>)
        %dma_wait3A_35 = tpu.memref_slice %arg3[%add3A_28] : memref<320000xi32, #tpu.memory_space<hbm>> -> memref<80xi32, #tpu.memory_space<hbm>>
        %dma_wait3A_36 = tpu.memref_slice %arg3[%add3A_28] : memref<320000xi32, #tpu.memory_space<hbm>> -> memref<80xi32, #tpu.memory_space<hbm>>
        tpu.wait_dma2 semaphore(%run_scoped3A : memref<!tpu.dma_semaphore, #tpu.memory_space<semaphore_mem>>) src(%dma_wait3A_36 : memref<80xi32, #tpu.memory_space<hbm>>) dst(%arg7 : memref<80xi32, #tpu.memory_space<vmem>>)
        tpu.yield
      }) : () -> ()
      "tpu.region"() ({
        %run_scoped3A = tpu.sem_alloc : memref<!tpu.dma_semaphore, #tpu.memory_space<semaphore_mem>>
        %dma_start3A_33 = tpu.memref_slice %arg4[%add3A_28] : memref<320000xi32, #tpu.memory_space<hbm>> -> memref<80xi32, #tpu.memory_space<hbm>>
        %dma_start3A_34 = tpu.memref_slice %arg4[%add3A_28] : memref<320000xi32, #tpu.memory_space<hbm>> -> memref<80xi32, #tpu.memory_space<hbm>>
        tpu.enqueue_dma source(%dma_start3A_34 : memref<80xi32, #tpu.memory_space<hbm>>) target(%arg8 : memref<80xi32, #tpu.memory_space<vmem>>) target_semaphore(%run_scoped3A : memref<!tpu.dma_semaphore, #tpu.memory_space<semaphore_mem>>)
        %dma_wait3A_35 = tpu.memref_slice %arg4[%add3A_28] : memref<320000xi32, #tpu.memory_space<hbm>> -> memref<80xi32, #tpu.memory_space<hbm>>
        %dma_wait3A_36 = tpu.memref_slice %arg4[%add3A_28] : memref<320000xi32, #tpu.memory_space<hbm>> -> memref<80xi32, #tpu.memory_space<hbm>>
        tpu.wait_dma2 semaphore(%run_scoped3A : memref<!tpu.dma_semaphore, #tpu.memory_space<semaphore_mem>>) src(%dma_wait3A_36 : memref<80xi32, #tpu.memory_space<hbm>>) dst(%arg8 : memref<80xi32, #tpu.memory_space<vmem>>)
        tpu.yield
      }) : () -> ()
      %dma_start3A = arith.constant 0 : i32
      %dma_start3A_29 = arith.constant 0 : i32
      %dma_start3A_30 = tpu.memref_slice %arg2[%dma_start3A, %dma_start3A_29] : memref<10000x128xf32, #tpu.memory_space<hbm>> -> memref<10000x128xf32, #tpu.memory_space<hbm>>
      tpu.enqueue_indirect_dma source(%dma_start3A_30 : memref<10000x128xf32, #tpu.memory_space<hbm>>) target(%arg9 : memref<80x128xf32, #tpu.memory_space<vmem>>) offsets(%arg7 : memref<80xi32, #tpu.memory_space<vmem>>) semaphore(%arg11 : memref<!tpu.dma_semaphore, #tpu.memory_space<semaphore_mem>>)
      %dma_wait3A = arith.constant 0 : i32
      %dma_wait3A_31 = arith.constant 0 : i32
      %dma_wait3A_32 = tpu.memref_slice %arg2[%dma_wait3A, %dma_wait3A_31] : memref<10000x128xf32, #tpu.memory_space<hbm>> -> memref<10000x128xf32, #tpu.memory_space<hbm>>
      tpu.wait_indirect_dma semaphore(%arg11 : memref<!tpu.dma_semaphore, #tpu.memory_space<semaphore_mem>>) src(%dma_wait3A_32 : memref<10000x128xf32, #tpu.memory_space<hbm>>) dst(%arg9 : memref<80x128xf32, #tpu.memory_space<vmem>>)
      "tpu.region"() ({
        %run_scoped3A = tpu.sem_alloc : memref<!tpu.dma_semaphore, #tpu.memory_space<semaphore_mem>>
        %dma_start3A_33 = arith.constant 0 : i32
        %dma_start3A_34 = arith.constant 0 : i32
        %dma_start3A_35 = tpu.memref_slice %arg10[%dma_start3A_33, %dma_start3A_34] : memref<10000x128xf32, #tpu.memory_space<vmem_shared>> -> memref<10000x128xf32, #tpu.memory_space<vmem_shared>>
        tpu.enqueue_indirect_dma source(%arg9 : memref<80x128xf32, #tpu.memory_space<vmem>>) target(%dma_start3A_35 : memref<10000x128xf32, #tpu.memory_space<vmem_shared>>) offsets(%arg8 : memref<80xi32, #tpu.memory_space<vmem>>) semaphore(%run_scoped3A : memref<!tpu.dma_semaphore, #tpu.memory_space<semaphore_mem>>) {add = true}
        %dma_wait3A_36 = arith.constant 0 : i32
        %dma_wait3A_37 = arith.constant 0 : i32
        %dma_wait3A_38 = tpu.memref_slice %arg10[%dma_wait3A_36, %dma_wait3A_37] : memref<10000x128xf32, #tpu.memory_space<vmem_shared>> -> memref<10000x128xf32, #tpu.memory_space<vmem_shared>>
        tpu.wait_indirect_dma semaphore(%run_scoped3A : memref<!tpu.dma_semaphore, #tpu.memory_space<semaphore_mem>>) src(%arg9 : memref<80x128xf32, #tpu.memory_space<vmem>>) dst(%dma_wait3A_38 : memref<10000x128xf32, #tpu.memory_space<vmem_shared>>)
        tpu.yield
      }) : () -> ()
    }
    %scan3A_9 = arith.constant 125 : i32
    %barrier3A_10 = arith.constant 0 : index
    tpu.barrier barrier_id(%barrier3A_10)
    %mul3A_11 = arith.constant 624 : i32
    %mul3A_12 = arith.muli %arg1, %mul3A_11 : i32
    %mul3A_13 = arith.constant 10000 : i32
    %mul3A_14 = arith.muli %arg0, %mul3A_13 : i32
    %mul3A_15 = arith.constant 624 : i32
    %mul3A_16 = arith.muli %arg1, %mul3A_15 : i32
    %add3A_17 = arith.addi %mul3A_14, %mul3A_16 : i32
    "tpu.region"() ({
      %run_scoped3A = tpu.sem_alloc : memref<!tpu.dma_semaphore, #tpu.memory_space<semaphore_mem>>
      %dma_start3A = arith.constant 0 : i32
      %dma_start3A_23 = tpu.memref_slice %arg6[%add3A_17, %dma_start3A] : memref<20000x128xf32, #tpu.memory_space<hbm>> -> memref<624x128xf32, #tpu.memory_space<hbm>>
      %dma_start3A_24 = arith.constant 0 : i32
      %dma_start3A_25 = tpu.memref_slice %arg10[%mul3A_12, %dma_start3A_24] : memref<10000x128xf32, #tpu.memory_space<vmem_shared>> -> memref<624x128xf32, #tpu.memory_space<vmem_shared>>
      tpu.enqueue_dma source(%dma_start3A_25 : memref<624x128xf32, #tpu.memory_space<vmem_shared>>) target(%dma_start3A_23 : memref<624x128xf32, #tpu.memory_space<hbm>>) target_semaphore(%run_scoped3A : memref<!tpu.dma_semaphore, #tpu.memory_space<semaphore_mem>>)
      %dma_wait3A = arith.constant 0 : i32
      %dma_wait3A_26 = tpu.memref_slice %arg6[%add3A_17, %dma_wait3A] : memref<20000x128xf32, #tpu.memory_space<hbm>> -> memref<624x128xf32, #tpu.memory_space<hbm>>
      %dma_wait3A_27 = arith.constant 0 : i32
      %dma_wait3A_28 = tpu.memref_slice %arg10[%mul3A_12, %dma_wait3A_27] : memref<10000x128xf32, #tpu.memory_space<vmem_shared>> -> memref<624x128xf32, #tpu.memory_space<vmem_shared>>
      tpu.wait_dma2 semaphore(%run_scoped3A : memref<!tpu.dma_semaphore, #tpu.memory_space<semaphore_mem>>) src(%dma_wait3A_28 : memref<624x128xf32, #tpu.memory_space<vmem_shared>>) dst(%dma_wait3A_26 : memref<624x128xf32, #tpu.memory_space<hbm>>)
      tpu.yield
    }) : () -> ()
    %eq3A_18 = arith.constant 0 : i32
    %eq3A_19 = arith.cmpi eq, %arg1, %eq3A_18 : i32
    %convert_element_type3A_20 = arith.extui %eq3A_19 : i1 to i32
    %cond3A_21 = arith.constant 0 : i32
    %cond3A_22 = arith.cmpi ne, %convert_element_type3A_20, %cond3A_21 : i32
    scf.if %cond3A_22 {
      %mul3A_23 = arith.constant 10000 : i32
      %mul3A_24 = arith.muli %arg0, %mul3A_23 : i32
      %add3A_25 = arith.constant 9984 : i32
      %add3A_26 = arith.addi %mul3A_24, %add3A_25 : i32
      "tpu.region"() ({
        %run_scoped3A = tpu.sem_alloc : memref<!tpu.dma_semaphore, #tpu.memory_space<semaphore_mem>>
        %dma_start3A = arith.constant 0 : i32
        %dma_start3A_27 = tpu.memref_slice %arg6[%add3A_26, %dma_start3A] : memref<20000x128xf32, #tpu.memory_space<hbm>> -> memref<16x128xf32, #tpu.memory_space<hbm>>
        %dma_start3A_28 = arith.constant 9984 : i32
        %dma_start3A_29 = arith.constant 0 : i32
        %dma_start3A_30 = tpu.memref_slice %arg10[%dma_start3A_28, %dma_start3A_29] : memref<10000x128xf32, #tpu.memory_space<vmem_shared>> -> memref<16x128xf32, #tpu.memory_space<vmem_shared>>
        tpu.enqueue_dma source(%dma_start3A_30 : memref<16x128xf32, #tpu.memory_space<vmem_shared>>) target(%dma_start3A_27 : memref<16x128xf32, #tpu.memory_space<hbm>>) target_semaphore(%run_scoped3A : memref<!tpu.dma_semaphore, #tpu.memory_space<semaphore_mem>>)
        %dma_wait3A = arith.constant 0 : i32
        %dma_wait3A_31 = tpu.memref_slice %arg6[%add3A_26, %dma_wait3A] : memref<20000x128xf32, #tpu.memory_space<hbm>> -> memref<16x128xf32, #tpu.memory_space<hbm>>
        %dma_wait3A_32 = arith.constant 9984 : i32
        %dma_wait3A_33 = arith.constant 0 : i32
        %dma_wait3A_34 = tpu.memref_slice %arg10[%dma_wait3A_32, %dma_wait3A_33] : memref<10000x128xf32, #tpu.memory_space<vmem_shared>> -> memref<16x128xf32, #tpu.memory_space<vmem_shared>>
        tpu.wait_dma2 semaphore(%run_scoped3A : memref<!tpu.dma_semaphore, #tpu.memory_space<semaphore_mem>>) src(%dma_wait3A_34 : memref<16x128xf32, #tpu.memory_space<vmem_shared>>) dst(%dma_wait3A_31 : memref<16x128xf32, #tpu.memory_space<hbm>>)
        tpu.yield
      }) : () -> ()
    } else {
    }
    return
  }
}

</mosaic_0001>

<sc_bundles>
// kernel: _sc_aggregate.3.cloned.1.call-start
scs
__scs_entry_jumppad:
0x0: {  	(pc) =	sbr.rel $0x88, $3  }
0x1: {  	(tag) =	ssettag $0x0;
	lr =	simm.s32 $0x1  }
0x2: {  	[smem:$0x3F9D] =	sst lr;
	_ =	strace $0xD0000000  }
0x3: {  	_ = 	snop  }
0x4: {  	_ = 	snop  }
0x5: {  	_ = 	snop  }
0x6: {  	_ = 	snop  }
0x7: {  	_ = 	snop  }
__scs_overlays_trampoline_lowered:
0x8: {  	[smem:$0x3FAC] =	sst s0  }
0x9: {  	[smem:$0x3FAD] =	sst s1  }
0xa: {  	[smem:$0x3FAE] =	sst s2  }
0xb: {  	[smem:$0x3FAF] =	sst s3  }
0xc: {  	[smem:$0x3FB0] =	sst s4  }
0xd: {  	[smem:$0x3FB1] =	sst s5  }
0xe: {  	[smem:$0x3FB2] =	sst s6  }
0xf: {  	[smem:$0x3FB3] =	sst s7  }
0x10: {  	[smem:$0x3FB4] =	sst s8  }
0x11: {  	[smem:$0x3FB5] =	sst s9;
	s0 =	simm.s32 @!p0 $0x0  }
0x12: {  	s1 =	sld [smem:$0x3F9B];
	s0 =	simm.s32 @p0 $0x1  }
0x13: {  	[smem:$0x3FB6] =	sst s0;
	s0 =	simm.s32 @!p1 $0x0  }
0x14: {  	s2 =	sld [smem:$0x3F9A];
	s0 =	simm.s32 @p1 $0x1  }
0x15: {  	[smem:$0x3FB7] =	sst s0;
	s0 =	simm.s32 @!p2 $0x0  }
0x16: {  	s3 =	sld [smem:$0x3FDB];
	s0 =	simm.s32 @p2 $0x1  }
0x17: {  	s4 =	simm.s32 $0x1BF5;
	[smem:$0x3FB9] =	sst s0  }
0x18: {  	s0 =	sld [smem:$0x3F9C];
	_ =	swait.ge [sflag:s4], $0x0  }
0x19: {  	s7 =	sld [smem:$0x3F9D]  }
0x1a: {  	s8 =	sadd.s32 $0xFFFFE003, lr  }
0x1b: {  	s9 =	sadd.s32 $0xFFFFFEF7, lr;
	s5 =	simm.s32 $0xFFFFFFFF;
	p2 =	slt.u32 s8, $0xFFFFF086  }
0x1c: {  	p1 =	slt.u32 s9, $0xF7A;
	s5 =	simm.s32 @!p2 $0x0  }
0x1d: {  	s5 =	simm.s32 @p1 $0x1;
	p0 =	seq.s32 s7, s2  }
0x1e: {  	s7 =	smul.u32 @!p0 $0xF7A, s2;
	p2 =	seq.s32 @!p0 s5, $0x0  }
0x1f: {  	s9 =	smul.u32 $0xF7A, s1;
	s8 =	simm.s32 @!p0 $0x1BF5;
	p2 =	por !p2, p0  }
0x20: {  	[sflag:s8] =	ssyncset.s32 @!p0 $0xFFFFF086;
	s6 =	sadd.s32 @!p0 s3, s7;
	s7 =	simm.s32 @!p0 $0x108  }
0x21: {  	s3 =	sadd.s32 s3, s9;
	s6 =	sadd.s32 @!p0 $0x88, s6;
	s7 =	simm.s32 @p2 $0x1082  }
0x22: {  	[simem:s7], [sflag:s8] =	dma.local @!p0 [hbm:s6], $0xF7A  }
0x23: {  	s9 =	sor.u32 $0xD0000000, s2;
	s6 =	simm.s32 $0x108;
	_ =	swait.ge @!p0 [sflag:s8], $0x0  }
0x24: {  	s3 =	sadd.s32 $0x88, s3;
	s6 =	simm.s32 @!p1 $0x1082;
	[sflag:s4] =	ssyncset.s32 $0xFFFFF086  }
0x25: {  	[simem:s6], [sflag:s4] =	dma.local [hbm:s3], $0xF7A  }
0x26: {  	[smem:$0x3F9D] =	sst s1;
	(tag) =	ssettag s2;
	_ =	strace s9  }
0x27: {  	s1 =	sld [smem:$0x3FAD]  }
0x28: {  	s2 =	sld [smem:$0x3FAE]  }
0x29: {  	s4 =	sld [smem:$0x3FB0]  }
0x2a: {  	p0 =	seq.s32 s5, $0x0;
	s5 =	sld [smem:$0x3FB1]  }
0x2b: {  	s6 =	sld [smem:$0x3FB2]  }
0x2c: {  	s7 =	sld [smem:$0x3FB3]  }
0x2d: {  	s3 =	simm.s32 $0x108;
	s8 =	sld [smem:$0x3FB4]  }
0x2e: {  	s3 =	simm.s32 @!p0 $0x1082;
	s9 =	sld [smem:$0x3FB5]  }
0x2f: {  	lr =	sadd.s32 s0, s3;
	s0 =	sld [smem:$0x3FAC]  }
0x30: {  	s3 =	sld [smem:$0x3FAF]  }
0x31: {  	[smem:$0x3FB8] =	sst s10  }
0x32: {  	s10 =	sld [smem:$0x3FB6];
	_ =	sdelay $0x3  }
0x33: {  	p0 =	seq.s32 s10, $0x1;
	s10 =	sld [smem:$0x3FB8];
	_ =	sdelay $0x3  }
0x34: {  	[smem:$0x3FB8] =	sst s10  }
0x35: {  	s10 =	sld [smem:$0x3FB7];
	_ =	sdelay $0x3  }
0x36: {  	p1 =	seq.s32 s10, $0x1;
	s10 =	sld [smem:$0x3FB8];
	_ =	sdelay $0x3  }
0x37: {  	[smem:$0x3FB8] =	sst s10  }
0x38: {  	s10 =	sld [smem:$0x3FB9]  }
0x39: {  	_ = 	snop;
	(pc) =	sbr.ind lr, $3  }
0x3a: {  	_ = 	snop  }
0x3b: {  	_ = 	snop  }
0x3c: {  	p2 =	seq.s32 s10, $0x1;
	s10 =	sld [smem:$0x3FB8]  }
0x3d: {  	_ =	shalt  }
0x3e: {  	_ =	shalt  }
0x3f: {  	_ =	shalt  }
0x40: {  	_ =	shalt  }
0x41: {  	_ =	shalt  }
0x42: {  	_ =	shalt  }
0x43: {  	_ =	shalt  }
0x44: {  	_ =	shalt  }
0x45: {  	_ =	shalt  }
0x46: {  	_ =	shalt  }
0x47: {  	_ =	shalt  }
0x48: {  	_ =	shalt  }
0x49: {  	_ =	shalt  }
0x4a: {  	_ =	shalt  }
0x4b: {  	_ =	shalt  }
0x4c: {  	_ =	shalt  }
0x4d: {  	_ =	shalt  }
0x4e: {  	_ =	shalt  }
0x4f: {  	_ =	shalt  }
0x50: {  	_ =	shalt  }
0x51: {  	_ =	shalt  }
0x52: {  	_ =	shalt  }
0x53: {  	_ =	shalt  }
0x54: {  	_ =	shalt  }
0x55: {  	_ =	shalt  }
0x56: {  	_ =	shalt  }
0x57: {  	_ =	shalt  }
0x58: {  	_ =	shalt  }
0x59: {  	_ =	shalt  }
0x5a: {  	_ =	shalt  }
0x5b: {  	_ =	shalt  }
0x5c: {  	_ =	shalt  }
0x5d: {  	_ =	shalt  }
0x5e: {  	_ =	shalt  }
0x5f: {  	_ =	shalt  }
0x60: {  	_ =	shalt  }
0x61: {  	_ =	shalt  }
0x62: {  	_ =	shalt  }
0x63: {  	_ =	shalt  }
0x64: {  	_ =	shalt  }
0x65: {  	_ =	shalt  }
0x66: {  	_ =	shalt  }
0x67: {  	_ =	shalt  }
0x68: {  	_ =	shalt  }
0x69: {  	_ =	shalt  }
0x6a: {  	_ =	shalt  }
0x6b: {  	_ =	shalt  }
0x6c: {  	_ =	shalt  }
0x6d: {  	_ =	shalt  }
0x6e: {  	_ =	shalt  }
0x6f: {  	_ =	shalt  }
0x70: {  	_ =	shalt  }
0x71: {  	_ =	shalt  }
0x72: {  	_ =	shalt  }
0x73: {  	_ =	shalt  }
0x74: {  	_ =	shalt  }
0x75: {  	_ =	shalt  }
0x76: {  	_ =	shalt  }
0x77: {  	_ =	shalt  }
0x78: {  	_ =	shalt  }
0x79: {  	_ =	shalt  }
0x7a: {  	_ =	shalt  }
0x7b: {  	_ =	shalt  }
0x7c: {  	_ =	shalt  }
0x7d: {  	_ =	shalt  }
0x7e: {  	_ =	shalt  }
0x7f: {  	_ =	shalt  }
0x80: {  	_ =	shalt  }
0x81: {  	_ =	shalt  }
0x82: {  	_ =	shalt  }
0x83: {  	_ =	shalt  }
0x84: {  	_ =	shalt  }
0x85: {  	_ =	shalt  }
0x86: {  	_ =	shalt  }
0x87: {  	_ =	shalt  }
.Lfunc_end0:
.L_simem_size_0:
called_computation_lowered:
.L_overlay_start_0:
0x88: {  	s2 =	sld [smem:$0x3FD9]  }
0x89: {  	s3 =	sld [smem:$0x3FFE];
	_ =	sdelay $0x1  }
0x8a: {  	s1 =	srdreg.scid  }
0x8b: {  	s0 =	sand.u32 $0x1, s1  }
0x8c: {  	s18 =	sshll.u32 s0, $0xA;
	s2 =	sadd.s32 s3, s2  }
0x8d: {  	s2 =	sadd.s32 s2, s18  }
0x8e: {  	[smem:$0x3FC4] =	sst s2  }
0x8f: {  	_ = 	snop  }
0x90: {  	s2 =	sld [smem:$0x3FC9]  }
0x91: {  	s19 =	sld [smem:$0x3FC8]  }
0x92: {  	s4 =	sld [smem:$0x3FC7]  }
0x93: {  	s5 =	sld [smem:$0x3FC6]  }
0x94: {  	s6 =	sld [smem:$0x3FD0];
	(tm) =	ssettm $0x1  }
0x95: {  	s7 =	sld [smem:$0x3FFB];
	_ =	sdelay $0x3  }
0x96: {  	_ =	strace s7  }
0x97: {  	s7 =	sld [smem:$0x3FFC];
	_ =	sdelay $0x3  }
0x98: {  	_ =	strace s7  }
0x99: {  	s7 =	sld [smem:$0x3FFD];
	_ =	sdelay $0x3  }
0x9a: {  	_ =	strace s7  }
0x9b: {  	_ =	strace $0x8FFFFFFF  }
0x9c: {  	s20 =	sld [smem:$0x3FDB];
	_ =	sdelay $0x1  }
0x9d: {  	s8 =	simm.s32 $_scs_section_size  }
0x9e: {  	s9 =	simm.s32 $_size__tile_overlayer_lowered;
	s10 =	simm.s32 $_tile_overlayer_lowered  }
0x9f: {  	s23 =	simm.s32 $0x1BFF;
	s22 =	sshll.u32 s10, $0x1;
	s7 =	sadd.s32 s8, s20  }
0xa0: {  	s11 =	simm.s32 $0x0;
	s21 =	sshll.u32 s9, $0x1;
	s9 =	sadd.s32 s22, s7  }
0xa1: {  	[timem:s11], [sflag:s23] =	dma.local [hbm:s9], s21  }
0xa2: {  	_ =	swait.ge [sflag:s23], s21  }
0xa3: {  	s8 =	ssub.s32 $0x0, s21;
	[sflag:s23] =	ssyncset.done $0x0  }
0xa4: {  	[sflag:s23] =	ssyncadd.s32 s8;
	_ =	sdelay $0x1  }
0xa5: {  	s24 =	simm.s32 $0x1B8B  }
0xa6: {  	_ =	swait.ge [sflag:s24], $0x1  }
0xa7: {  	[sflag:s24] =	ssyncset.done $0x0  }
0xa8: {  	s25 =	simm.s32 $0x1B8E;
	[sflag:s24] =	ssyncadd.s32 $0xFFFFFFFF  }
0xa9: {  	s26 =	simm.s32 $execute0_lowered;
	[smem:$0x3FD2] =	sst s25  }
0xaa: {  	s8 =	sshll.u32 s26, $0x1;
	_ =	strace $0x80000046;
	[dreg:$0x1] =	wrdreg $0xFFFFFFFF  }
0xab: {  	s28 =	simm.s32 $_size_execute0_lowered;
	s7 =	sadd.s32 s7, s8;
	[dreg:$0x0] =	wrdreg $0x0  }
0xac: {  	s8 =	sshll.u32 s28, $0x1;
	[dreg:$0x2] =	wrdreg s7  }
0xad: {  	[dreg:$0x3] =	wrdreg s8  }
0xae: {  	[dreg:$0x4] =	wrdreg $0xC0  }
0xaf: {  	_ =	task [dreg:s11], $0x5FFFF  }
0xb0: {  	[dreg:$0x1] =	wrdreg $0xFFFFFFFF  }
0xb1: {  	[dreg:$0x0] =	wrdreg $0x60  }
0xb2: {  	[dreg:$0x2] =	wrdreg s2  }
0xb3: {  	[dreg:$0x3] =	wrdreg s19  }
0xb4: {  	[dreg:$0x4] =	wrdreg s4  }
0xb5: {  	[dreg:$0x5] =	wrdreg s5  }
0xb6: {  	[dreg:$0x6] =	wrdreg s6  }
0xb7: {  	[dreg:$0x7] =	wrdreg $0x29000  }
0xb8: {  	[dreg:$0x8] =	wrdreg $0x9  }
0xb9: {  	_ =	task.clear_ibuf [dreg:s11], $0x9FFFF;
	_ =	strace $0x90000046  }
0xba: {  	s29 =	simm.s32 $0x9;
	_ =	strace $0x80000048  }
0xbb: {  	_ =	swait.ge [sflag:s29], $0x1  }
0xbc: {  	[sflag:s29] =	ssyncadd.s32 $0xFFFFFFFF  }
0xbd: {  	_ =	strace $0x90000048  }
0xbe: {  	_ =	sfence  }
0xbf: {  	s30 =	sld [smem:$0x0];
	_ =	sdelay $0x2  }
0xc0: {  	s31 =	sshll.u32 s1, $0xD;
	s1 =	sshrl.u32 s1, $0x2  }
0xc1: {  	s3 =	sand.u32 $0x4000, s31;
	s1 =	sadd.s32 s1, s30  }
0xc2: {  	s0 =	sor.u32 s3, s0;
	s1 =	sshll.u32 s1, $0x11  }
0xc3: {  	s0 =	sor.u32 s1, s0  }
0xc4: {  	s0 =	sadd.s32 $0x8F2B, s0  }
0xc5: {  	[sflag:s0] =	ssyncadd.remote.s32 $0x1  }
0xc6: {  	_ =	sfence.sel $0xFFFF  }
0xc7: {  	[dreg:$0x0] =	wrdreg $0xFFFFFFFF;
	(pc) =	sbr.abs _section_cstart, $3  }
0xc8: {  	[dreg:$0x1] =	wrdreg $0xFFFFFFFF  }
0xc9: {  	_ =	task.clear_ibuf [dreg:s11], $0x2FFFF;
	_ =	strace $0x9FFFFFFF  }
0xca: {  	(tm) =	ssettm $0x7FFFFFFF  }
0xcb: {  	_ =	shalt  }
tec
execute0_lowered:
.L_overlay_start_1:
0x0: {  	(tag) =	ssettag $0x1  }
0x1: {  	s0 =	rddreg [dreg:$0x0]  }
0x2: {  	s10 =	rddreg [dreg:$0x1]  }
0x3: {  	s9 =	rddreg [dreg:$0x2]  }
0x4: {  	s2 =	rddreg [dreg:$0x3]  }
0x5: {  	s6 =	rddreg [dreg:$0x4]  }
0x6: {  	s3 =	rddreg [dreg:$0x5]  }
0x7: {  	s1 =	rddreg [dreg:$0x6];
	s11 =	stileid.u32  }
0x8: {  	s5 =	srdreg.scid;
	s7 =	smul.u32 $0x2700, s11  }
0x9: {  	s4 =	simm.s32 $0x0;
	s5 =	sand.u32 $0x1, s5;
	s8 =	smul.u32 $0x4E000, s11  }
0xa: {  	[smem:$0x7FF] =	sst s4;
	s28 =	smul.u32 $0x4E20, s11;
	s29 =	sshll.u32 s11, $0x6  }
0xb: {  	s18 =	sadd.s32 $0x138000, s3;
	p0 =	sne.s32 s11, $0x0;
	s13 =	smul.u32 $0x27100, s5  }
0xc: {  	s12 =	ssub.s32 $0x2, s5;
	_ =	strace $0x80000047;
	s15 =	smul.u32 $0x138800, s5  }
0xd: {  	s17 =	smul.u32 $0x2710, s5;
	s14 =	sshrl.u32 s12, $0x1;
	s8 =	sshrl.u32 s8, $0x2  }
0xe: {  	s5 =	sor.u32 $0x1C02, s29;
	s12 =	ssub.s32 s12, s14;
	s16 =	sadd.s32 s8, s3  }
0xf: {  	s30 =	sshrl.u32 s15, $0x3;
	s7 =	sadd.s32 s7, s13;
	s31 =	sadd.s32 s17, s28  }
0x10: {  	s14 =	simm.s32 $0x80;
	s15 =	simm.s32 $0x50;
	s17 =	simm.s32 $0x1  }
0x11: {  	s8 =	sadd.s32 s6, s30;
	s6 =	sadd.s32 s6, s7;
	s13 =	sshrl.u32 s31, $0x3  }
0x12: {  	s11 =	sshrl.u32 s16, $0x3;
	s16 =	simm.s32 $0x100;
	s7 =	sadd.s32 $0x27000, s8  }
0x13: {  	s8 =	smax.u32 s12, $0x1;
	s9 =	sadd.s32 s13, s9;
	s10 =	sadd.s32 s13, s10  }
0x14: {  	s12 =	simm.s32 $0x2;
	s13 =	sshrl.u32 @!p0 s18, $0x3;
	s18 =	simm.s32 $0x0  }
.LBB2_1:
0x15: {  	[spmem:s11], [sflag:s5] =	dma.local [hbm:s2], $0x2700  }
0x16: {  	_ =	swait.ge [sflag:s12], $0x2700  }
0x17: {  	[sflag:s12] =	ssyncset.done $0x0  }
0x18: {  	s19 =	simm.s32 @!p0 $0x2;
	[sflag:s12] =	ssyncadd.s32 $0xFFFFD900  }
0x19: {  	[spmem:s13], [sflag:s5] =	dma.local @!p0 [hbm:s2], $0x100  }
0x1a: {  	_ =	swait.ge @!p0 [sflag:s19], $0x100  }
0x1b: {  	[sflag:s19] =	ssyncset.done @!p0 $0x0  }
0x1c: {  	[sflag:s19] =	ssyncadd.s32 @!p0 $0xFFFFFF00  }
0x1d: {  	s30 =	sadd.s32 $0x0, s10;
	[bflag:$0x0] =	sbarrier.arrive $0xFFFF  }
0x1e: {  	[tilespmem:s4], [sflag:$0x2] =	stream.linear.gather [hbm4b:s30+s4], $0x50, $0x38;
	[tilespmem:$0x16180] =	vst v63  }
0x1f: {  	_ =	swait.ge [sflag:s12], $0x50  }
0x20: {  	[sflag:s12] =	ssyncset.done $0x0  }
0x21: {  	s31 =	sadd.s32 $0x0, s9;
	[sflag:s12] =	ssyncadd.s32 $0xFFFFFFB0  }
0x22: {  	[tilespmem:s14], [sflag:$0x2] =	stream.linear.gather [hbm4b:s31+s4], $0x50, $0x38;
	[tilespmem:$0x16180] =	vst v63  }
0x23: {  	_ =	swait.ge [sflag:s12], $0x50  }
0x24: {  	[sflag:s12] =	ssyncset.done $0x0  }
0x25: {  	[sflag:s12] =	ssyncadd.s32 $0xFFFFFFB0  }
0x26: {  	[tilespmem:s16], [sflag:$0x1] =	stream.indirect.gather [hbm4b:s0+s15], $0x80, s4, s15, $0xb8;
	[tilespmem:$0x16180] =	vst v63  }
0x27: {  	_ =	swait.ge [sflag:s17], $0x2800  }
0x28: {  	[sflag:s17] =	ssyncset.done $0x0  }
0x29: {  	[sflag:s17] =	ssyncadd.s32 $0xFFFFD800  }
0x2a: {  	[spmem:s3] =	stream.indirect.scatter.add.f32 [tilespmem:s16], [sflag:$0x2], $0x80, s14, s15, $0xb8;
	[tilespmem:$0x16180] =	vst v63  }
0x2b: {  	_ =	swait.ge [sflag:s12], $0x2800  }
0x2c: {  	s20 =	simm.s32 $0x14;
	s19 =	simm.s32 $0xA;
	[sflag:s12] =	ssyncset.done $0x0  }
.LBB2_2:
0x2d: {  	s21 =	sadd.s32 s19, s10  }
0x2e: {  	[sflag:s12] =	ssyncadd.s32 $0xFFFFD800;
	s22 =	smov.u32 s20;
	s23 =	sadd.s32 $0xA, s20  }
0x2f: {  	[tilespmem:s4], [sflag:$0x2] =	stream.linear.gather [hbm4b:s21+s4], $0x50, $0x38;
	[tilespmem:$0x16180] =	vst v63  }
0x30: {  	p1 =	sne.s32 s20, $0x4D8;
	_ =	swait.ge [sflag:s12], $0x50  }
0x31: {  	[sflag:s12] =	ssyncset.done $0x0  }
0x32: {  	s20 =	sadd.s32 s19, s9;
	s19 =	smov.u32 s22;
	[sflag:s12] =	ssyncadd.s32 $0xFFFFFFB0  }
0x33: {  	[tilespmem:s14], [sflag:$0x2] =	stream.linear.gather [hbm4b:s20+s4], $0x50, $0x38;
	[tilespmem:$0x16180] =	vst v63  }
0x34: {  	_ =	swait.ge [sflag:s12], $0x50  }
0x35: {  	[sflag:s12] =	ssyncset.done $0x0  }
0x36: {  	[sflag:s12] =	ssyncadd.s32 $0xFFFFFFB0  }
0x37: {  	[tilespmem:s16], [sflag:$0x1] =	stream.indirect.gather [hbm4b:s0+s15], $0x80, s4, s15, $0xb8;
	[tilespmem:$0x16180] =	vst v63  }
0x38: {  	_ =	swait.ge [sflag:s17], $0x2800  }
.Ltmp0:
0x39: {  	[sflag:s17] =	ssyncset.done $0x0;
	(pc) =	sbr.rel @p1 .LBB2_2-.Ltmp0, $4  }
0x3a: {  	[sflag:s17] =	ssyncadd.s32 $0xFFFFD800  }
0x3b: {  	[spmem:s3] =	stream.indirect.scatter.add.f32 [tilespmem:s16], [sflag:$0x2], $0x80, s14, s15, $0xb8;
	[tilespmem:$0x16180] =	vst v63  }
0x3c: {  	_ =	swait.ge [sflag:s12], $0x2800  }
0x3d: {  	s20 =	smov.u32 s23;
	[sflag:s12] =	ssyncset.done $0x0  }
0x3e: {  	s20 =	sadd.s32 s19, s10;
	[sflag:s12] =	ssyncadd.s32 $0xFFFFD800  }
0x3f: {  	[tilespmem:s4], [sflag:$0x2] =	stream.linear.gather [hbm4b:s20+s4], $0x50, $0x38;
	[tilespmem:$0x16180] =	vst v63  }
0x40: {  	_ =	swait.ge [sflag:s12], $0x50  }
0x41: {  	[sflag:s12] =	ssyncset.done $0x0  }
0x42: {  	s31 =	sadd.s32 s19, s9;
	[sflag:s12] =	ssyncadd.s32 $0xFFFFFFB0  }
0x43: {  	[tilespmem:s14], [sflag:$0x2] =	stream.linear.gather [hbm4b:s31+s4], $0x50, $0x38;
	[tilespmem:$0x16180] =	vst v63  }
0x44: {  	_ =	swait.ge [sflag:s12], $0x50  }
0x45: {  	[sflag:s12] =	ssyncset.done $0x0  }
0x46: {  	[sflag:s12] =	ssyncadd.s32 $0xFFFFFFB0  }
0x47: {  	[tilespmem:s16], [sflag:$0x1] =	stream.indirect.gather [hbm4b:s0+s15], $0x80, s4, s15, $0xb8;
	[tilespmem:$0x16180] =	vst v63  }
0x48: {  	_ =	swait.ge [sflag:s17], $0x2800  }
0x49: {  	[sflag:s17] =	ssyncset.done $0x0  }
0x4a: {  	[sflag:s17] =	ssyncadd.s32 $0xFFFFD800  }
0x4b: {  	[spmem:s3] =	stream.indirect.scatter.add.f32 [tilespmem:s16], [sflag:$0x2], $0x80, s14, s15, $0xb8;
	[tilespmem:$0x16180] =	vst v63  }
0x4c: {  	_ =	swait.ge [sflag:s12], $0x2800  }
0x4d: {  	[sflag:s12] =	ssyncset.done $0x0  }
0x4e: {  	[sflag:s12] =	ssyncadd.s32 $0xFFFFD800  }
0x4f: {  	[bflag:$0x0] =	sbarrier.arrive $0xFFFF  }
0x50: {  	[hbm:s6], [sflag:s5] =	dma.local [spmem:s11], $0x2700  }
0x51: {  	s18 =	sadd.s32 $0x1, s18;
	_ =	swait.ge [sflag:s12], $0x2700  }
0x52: {  	p1 =	sne.s32 s18, s8;
	[sflag:s12] =	ssyncset.done $0x0  }
.Ltmp1:
0x53: {  	s19 =	simm.s32 @!p0 $0x2;
	[sflag:s12] =	ssyncadd.s32 $0xFFFFD900;
	(pc) =	sbr.rel @p1 .LBB2_1-.Ltmp1, $4  }
0x54: {  	[hbm:s7], [sflag:s5] =	dma.local @!p0 [spmem:s13], $0x100  }
0x55: {  	_ =	swait.ge @!p0 [sflag:s19], $0x100  }
0x56: {  	[sflag:s19] =	ssyncset.done @!p0 $0x0  }
0x57: {  	[sflag:s19] =	ssyncadd.s32 @!p0 $0xFFFFFF00  }
0x58: {  	_ =	sfence.sel $0x180000  }
0x59: {  	[bflag:$0x0] =	sbarrier.arrive $0xFFFF  }
0x5a: {  	_ =	strace $0x90000047  }
0x5b: {  	s0 =	sadd.s32 @!p0 $0x100000, s1;
	[bflag:$0x2] =	sbarrier.arrive $0xFFFF  }
0x5c: {  	[sflag:s0] =	ssyncadd.tile.s32 @!p0 $0x1;
	_ =	shalt  }
.Lfunc_end2:
_tile_overlayer_lowered:
.L_overlay_start_2:
0x5d: {  	(tag) =	ssettag $0x2  }
0x5e: {  	s0 =	rddreg [dreg:$0x0];
	s2 =	stileid.u32  }
0x5f: {  	s1 =	rddreg [dreg:$0x1];
	p0 =	sne.s32 s2, $0x0  }
0x60: {  	s3 =	rddreg [dreg:$0x2];
	[bflag:$0x3] =	sbarrier.arrive $0xFFFF;
	s2 =	simm.s32 @!p0 $0x1C02  }
0x61: {  	[timem:s3], [sflag:s2] =	dma.local @!p0 [hbm:s0], s1  }
0x62: {  	s0 =	simm.s32 @!p0 $0x2  }
0x63: {  	_ =	swait.ge @!p0 [sflag:s0], s1  }
0x64: {  	s1 =	ssub.s32 @!p0 $0x0, s1;
	[sflag:s0] =	ssyncset.done @!p0 $0x0  }
0x65: {  	[sflag:s0] =	ssyncadd.s32 @!p0 s1  }
0x66: {  	[bflag:$0x3] =	sbarrier.arrive $0xFFFF  }
0x67: {  	_ =	shalt  }

</sc_bundles>
